<compile_context>
chip_gen: v7x
topology: tpu7x:2x2x1
jax: 0.10.2.dev20260603
libtpu: 0.0.44.dev20260713+nightly
codegen_flags: <defaults>
</compile_context>

<pallas_src>
import functools

import jax
import jax.numpy as jnp
from jax import lax
from jax.experimental import pallas as pl
from jax.experimental.pallas import tpu as pltpu
from jax.experimental.pallas import tpu_sc as plsc

_MIN_RATING = 0.0
_SCALE = 100.0
_NUM_BINS = 1001
_BATCH = 16384
_NS, _L = 16, 16
_BPW = _BATCH // _NS
_VECS = _BPW // _L


def _body(pred_hbm, targ_hbm, w_hbm, out_hbm,
          w_v, pred_v, targ_v, part_v, red_v, shared, sem):
    sid = lax.axis_index("s")
    base = sid * _BPW
    cw = pltpu.async_copy(w_hbm, w_v, sem)
    cp = pltpu.async_copy(pred_hbm.at[pl.ds(base, _BPW)], pred_v, sem)
    ct = pltpu.async_copy(targ_hbm.at[pl.ds(base, _BPW)], targ_v, sem)
    cw.wait()
    cp.wait()
    ct.wait()

    @plsc.parallel_loop(0, _BPW, step=_L, unroll=4,
                        carry=jnp.zeros((_L,), jnp.float32))
    def _acc(off, acc):
        p = pred_v[pl.ds(off, _L)]
        t = targ_v[pl.ds(off, _L)]
        idx = ((t - _MIN_RATING) * _SCALE + 0.5).astype(jnp.int32)
        idx = jnp.minimum(jnp.maximum(idx, 0), _NUM_BINS - 1)
        w = plsc.load_gather(w_v, [idx])
        d = p - t
        return acc + w * d * d
    acc = _acc

    psum = lax.reduce_sum_p.bind(acc, axes=(0,))
    part_v[...] = jnp.full((_L,), 0.0, jnp.float32) + psum
    pltpu.sync_copy(part_v, shared.at[pl.ds(sid * _L, _L)])
    plsc.subcore_barrier()

    @pl.when(sid == 0)
    def _():
        pltpu.sync_copy(shared, red_v)
        stride_idx = lax.iota(jnp.int32, _L) * _L
        tile_sums = plsc.load_gather(red_v, [stride_idx])
        mean = lax.reduce_sum_p.bind(tile_sums * (1.0 / _BATCH), axes=(0,))
        part_v[...] = jnp.full((_L,), 0.0, jnp.float32) + mean
        pltpu.sync_copy(part_v, out_hbm)


@functools.partial(jax.jit, static_argnames=())
def kernel(predictions, targets, weight_tensor):
    mesh = plsc.VectorSubcoreMesh(
        core_axis_name="c", subcore_axis_name="s", num_cores=1)
    out = pl.kernel(
        _body,
        out_type=jax.ShapeDtypeStruct((_L,), jnp.float32),
        mesh=mesh,
        scratch_types=[
            pltpu.VMEM((_NUM_BINS,), jnp.float32),
            pltpu.VMEM((_BPW,), jnp.float32),
            pltpu.VMEM((_BPW,), jnp.float32),
            pltpu.VMEM((_L,), jnp.float32),
            pltpu.VMEM((_NS * _L,), jnp.float32),
            pltpu.VMEM_SHARED((_NS * _L,), jnp.float32),
            pltpu.SemaphoreType.DMA,
        ],
        compiler_params=pltpu.CompilerParams(needs_layout_passes=False),
    )(predictions, targets, weight_tensor)
    return out[0]

# --- scband reference (transcript-rebuilt; emitter-appended) ---
"""Pipeline reference for scband-inverse-frequency-mseloss-51805895525029 (READ-ONLY COPY).

The authoritative reference and input builder live on the scoring server;
editing this copy changes nothing except your own understanding.
"""

import jax, jax.numpy as jnp
import numpy as np

MIN_RATING = 0.0
MAX_RATING = 10.0
PRECISION = 2
SCALE = 10 ** PRECISION
NUM_BINS = int(round((MAX_RATING - MIN_RATING) * SCALE)) + 1
BATCH = 16384


def setup_inputs(seed: int = 0) -> dict:
    key = jax.random.key(seed)
    k1, k2 = jax.random.split(key, 2)
    predictions = jax.random.uniform(k1, (BATCH,), dtype=jnp.float32)
    targets = jax.random.uniform(k2, (BATCH,), dtype=jnp.float32)
    # rating_to_weight dict is empty -> every bin gets default weight 1.0
    weight_tensor = jnp.ones((NUM_BINS,), dtype=jnp.float32)
    return {"predictions": predictions, "targets": targets, "weight_tensor": weight_tensor}


def reference(predictions, targets, weight_tensor):
    indices = jnp.round((targets - MIN_RATING) * SCALE).astype(jnp.int32)
    indices = jnp.clip(indices, 0, weight_tensor.shape[0] - 1)
    weights = jnp.take(weight_tensor, indices, axis=0)
    loss = weights * (predictions - targets) ** 2
    return jnp.mean(loss)

if __name__ == "__main__":
    import jax
    _d = setup_inputs()
    print(jax.jit(kernel)(*tuple(_d.values())))

</pallas_src>

<mosaic_0001>
#map = affine_map<(d0, d1) -> (0)>
module attributes {stable_mosaic.version = 14 : i64} {
  func.func @_body(%arg0: i32, %arg1: i32, %arg2: memref<16384xf32, #tpu.memory_space<hbm>>, %arg3: memref<16384xf32, #tpu.memory_space<hbm>>, %arg4: memref<1001xf32, #tpu.memory_space<hbm>>, %arg5: memref<16xf32, #tpu.memory_space<hbm>>, %arg6: memref<1001xf32, #tpu.memory_space<vmem>>, %arg7: memref<1024xf32, #tpu.memory_space<vmem>>, %arg8: memref<1024xf32, #tpu.memory_space<vmem>>, %arg9: memref<16xf32, #tpu.memory_space<vmem>>, %arg10: memref<256xf32, #tpu.memory_space<vmem>>, %arg11: memref<256xf32, #tpu.memory_space<vmem_shared>>, %arg12: memref<!tpu.dma_semaphore, #tpu.memory_space<semaphore_mem>>) attributes {dimension_semantics = [#tpu.dimension_semantics<core_parallel>, #tpu.dimension_semantics<subcore_parallel>], iteration_bounds = array<i64: 1, 16>, scalar_prefetch = 0 : i64, scratch_operands = 7 : i64, tpu.core_type = #tpu.core_type<sc_vector_subcore>, window_params = [{transform_indices = #map}, {transform_indices = #map}, {transform_indices = #map}, {transform_indices = #map}]} {
    %mul3A = arith.constant 1024 : i32
    %mul3A_0 = arith.muli %arg1, %mul3A : i32
    tpu.enqueue_dma source(%arg4 : memref<1001xf32, #tpu.memory_space<hbm>>) target(%arg6 : memref<1001xf32, #tpu.memory_space<vmem>>) target_semaphore(%arg12 : memref<!tpu.dma_semaphore, #tpu.memory_space<semaphore_mem>>)
    %dma_start3A = tpu.memref_slice %arg2[%mul3A_0] : memref<16384xf32, #tpu.memory_space<hbm>> -> memref<1024xf32, #tpu.memory_space<hbm>>
    %dma_start3A_1 = tpu.memref_slice %arg2[%mul3A_0] : memref<16384xf32, #tpu.memory_space<hbm>> -> memref<1024xf32, #tpu.memory_space<hbm>>
    tpu.enqueue_dma source(%dma_start3A_1 : memref<1024xf32, #tpu.memory_space<hbm>>) target(%arg7 : memref<1024xf32, #tpu.memory_space<vmem>>) target_semaphore(%arg12 : memref<!tpu.dma_semaphore, #tpu.memory_space<semaphore_mem>>)
    %dma_start3A_2 = tpu.memref_slice %arg3[%mul3A_0] : memref<16384xf32, #tpu.memory_space<hbm>> -> memref<1024xf32, #tpu.memory_space<hbm>>
    %dma_start3A_3 = tpu.memref_slice %arg3[%mul3A_0] : memref<16384xf32, #tpu.memory_space<hbm>> -> memref<1024xf32, #tpu.memory_space<hbm>>
    tpu.enqueue_dma source(%dma_start3A_3 : memref<1024xf32, #tpu.memory_space<hbm>>) target(%arg8 : memref<1024xf32, #tpu.memory_space<vmem>>) target_semaphore(%arg12 : memref<!tpu.dma_semaphore, #tpu.memory_space<semaphore_mem>>)
    tpu.wait_dma2 semaphore(%arg12 : memref<!tpu.dma_semaphore, #tpu.memory_space<semaphore_mem>>) src(%arg4 : memref<1001xf32, #tpu.memory_space<hbm>>) dst(%arg6 : memref<1001xf32, #tpu.memory_space<vmem>>)
    %dma_wait3A = tpu.memref_slice %arg2[%mul3A_0] : memref<16384xf32, #tpu.memory_space<hbm>> -> memref<1024xf32, #tpu.memory_space<hbm>>
    %dma_wait3A_4 = tpu.memref_slice %arg2[%mul3A_0] : memref<16384xf32, #tpu.memory_space<hbm>> -> memref<1024xf32, #tpu.memory_space<hbm>>
    tpu.wait_dma2 semaphore(%arg12 : memref<!tpu.dma_semaphore, #tpu.memory_space<semaphore_mem>>) src(%dma_wait3A_4 : memref<1024xf32, #tpu.memory_space<hbm>>) dst(%arg7 : memref<1024xf32, #tpu.memory_space<vmem>>)
    %dma_wait3A_5 = tpu.memref_slice %arg3[%mul3A_0] : memref<16384xf32, #tpu.memory_space<hbm>> -> memref<1024xf32, #tpu.memory_space<hbm>>
    %dma_wait3A_6 = tpu.memref_slice %arg3[%mul3A_0] : memref<16384xf32, #tpu.memory_space<hbm>> -> memref<1024xf32, #tpu.memory_space<hbm>>
    tpu.wait_dma2 semaphore(%arg12 : memref<!tpu.dma_semaphore, #tpu.memory_space<semaphore_mem>>) src(%dma_wait3A_6 : memref<1024xf32, #tpu.memory_space<hbm>>) dst(%arg8 : memref<1024xf32, #tpu.memory_space<vmem>>)
    %broadcast_in_dim3A = arith.constant 0.000000e+00 : f32
    %broadcast_in_dim3A_7 = vector.broadcast %broadcast_in_dim3A : f32 to vector<16xf32>
    %parallel_loop3A = arith.constant 0 : i32
    %parallel_loop3A_8 = arith.constant 1024 : i32
    %parallel_loop3A_9 = arith.constant 16 : i32
    %parallel_loop3A_10 = scf.for %parallel_loop3A_22 = %parallel_loop3A to %parallel_loop3A_8 step %parallel_loop3A_9 iter_args(%parallel_loop3A_23 = %broadcast_in_dim3A_7) -> (vector<16xf32>)  : i32 {
      %parallel_loop3A_24 = arith.index_cast %parallel_loop3A_22 : i32 to index
      %parallel_loop3A_25 = tpu.vector_load %arg7[%parallel_loop3A_24] {strides = array<i32>} : memref<1024xf32, #tpu.memory_space<vmem>>, vector<16xf32>,
      %parallel_loop3A_26 = arith.index_cast %parallel_loop3A_22 : i32 to index
      %parallel_loop3A_27 = tpu.vector_load %arg8[%parallel_loop3A_26] {strides = array<i32>} : memref<1024xf32, #tpu.memory_space<vmem>>, vector<16xf32>,
      %parallel_loop3A_28 = arith.constant 0.000000e+00 : f32
      %parallel_loop3A_29 = vector.broadcast %parallel_loop3A_28 : f32 to vector<16xf32>
      %parallel_loop3A_30 = arith.subf %parallel_loop3A_27, %parallel_loop3A_29 : vector<16xf32>
      %parallel_loop3A_31 = arith.constant 1.000000e+02 : f32
      %parallel_loop3A_32 = vector.broadcast %parallel_loop3A_31 : f32 to vector<16xf32>
      %parallel_loop3A_33 = arith.mulf %parallel_loop3A_30, %parallel_loop3A_32 : vector<16xf32>
      %parallel_loop3A_34 = arith.constant 5.000000e-01 : f32
      %parallel_loop3A_35 = vector.broadcast %parallel_loop3A_34 : f32 to vector<16xf32>
      %parallel_loop3A_36 = arith.addf %parallel_loop3A_33, %parallel_loop3A_35 : vector<16xf32>
      %parallel_loop3A_37 = arith.fptosi %parallel_loop3A_36 : vector<16xf32> to vector<16xi32>
      %parallel_loop3A_38 = arith.constant 0 : i32
      %parallel_loop3A_39 = vector.broadcast %parallel_loop3A_38 : i32 to vector<16xi32>
      %parallel_loop3A_40 = arith.maxsi %parallel_loop3A_37, %parallel_loop3A_39 : vector<16xi32>
      %parallel_loop3A_41 = arith.constant 1000 : i32
      %parallel_loop3A_42 = vector.broadcast %parallel_loop3A_41 : i32 to vector<16xi32>
      %parallel_loop3A_43 = arith.minsi %parallel_loop3A_40, %parallel_loop3A_42 : vector<16xi32>
      %parallel_loop3A_44 = tpu.vector_load_idx %arg6[%parallel_loop3A_43] : memref<1001xf32, #tpu.memory_space<vmem>>[vector<16xi32>], vector<16xf32>,
      %parallel_loop3A_45 = arith.subf %parallel_loop3A_25, %parallel_loop3A_27 : vector<16xf32>
      %parallel_loop3A_46 = arith.mulf %parallel_loop3A_44, %parallel_loop3A_45 : vector<16xf32>
      %parallel_loop3A_47 = arith.mulf %parallel_loop3A_46, %parallel_loop3A_45 : vector<16xf32>
      %parallel_loop3A_48 = arith.addf %parallel_loop3A_23, %parallel_loop3A_47 : vector<16xf32>
      scf.yield %parallel_loop3A_48 : vector<16xf32>
    } {sc.loop_unroll_factor = 4 : i64, sc.parallel_access}
    %reduce_sum3A = arith.constant true
    %reduce_sum3A_11 = vector.broadcast %reduce_sum3A : i1 to vector<16xi1>
    %reduce_sum3A_12 = tpu.scan <sum>, %parallel_loop3A_10 masked %reduce_sum3A_11 : vector<16xf32>, vector<16xi1> -> vector<16xf32>
    %reduce_sum3A_13 = vector.extract %reduce_sum3A_12[15] : f32 from vector<16xf32>
    %broadcast_in_dim3A_14 = arith.constant 0.000000e+00 : f32
    %broadcast_in_dim3A_15 = vector.broadcast %broadcast_in_dim3A_14 : f32 to vector<16xf32>
    %add3A = vector.broadcast %reduce_sum3A_13 : f32 to vector<16xf32>
    %add3A_16 = arith.addf %broadcast_in_dim3A_15, %add3A : vector<16xf32>
    %swap3A = arith.constant 0 : index
    %swap3A_17 = tpu.vector_load %arg9[%swap3A] {strides = array<i32>} : memref<16xf32, #tpu.memory_space<vmem>>, vector<16xf32>,
    tpu.vector_store %arg9[%swap3A], %add3A_16 {strides = array<i32>} : memref<16xf32, #tpu.memory_space<vmem>>, vector<16xf32>,
    %mul3A_18 = arith.constant 16 : i32
    %mul3A_19 = arith.muli %arg1, %mul3A_18 : i32
    "tpu.region"() ({
      %run_scoped3A = tpu.sem_alloc : memref<!tpu.dma_semaphore, #tpu.memory_space<semaphore_mem>>
      %dma_start3A_22 = tpu.memref_slice %arg11[%mul3A_19] : memref<256xf32, #tpu.memory_space<vmem_shared>> -> memref<16xf32, #tpu.memory_space<vmem_shared>>
      %dma_start3A_23 = tpu.memref_slice %arg11[%mul3A_19] : memref<256xf32, #tpu.memory_space<vmem_shared>> -> memref<16xf32, #tpu.memory_space<vmem_shared>>
      tpu.enqueue_dma source(%arg9 : memref<16xf32, #tpu.memory_space<vmem>>) target(%dma_start3A_23 : memref<16xf32, #tpu.memory_space<vmem_shared>>) target_semaphore(%run_scoped3A : memref<!tpu.dma_semaphore, #tpu.memory_space<semaphore_mem>>)
      %dma_wait3A_24 = tpu.memref_slice %arg11[%mul3A_19] : memref<256xf32, #tpu.memory_space<vmem_shared>> -> memref<16xf32, #tpu.memory_space<vmem_shared>>
      %dma_wait3A_25 = tpu.memref_slice %arg11[%mul3A_19] : memref<256xf32, #tpu.memory_space<vmem_shared>> -> memref<16xf32, #tpu.memory_space<vmem_shared>>
      tpu.wait_dma2 semaphore(%run_scoped3A : memref<!tpu.dma_semaphore, #tpu.memory_space<semaphore_mem>>) src(%arg9 : memref<16xf32, #tpu.memory_space<vmem>>) dst(%dma_wait3A_25 : memref<16xf32, #tpu.memory_space<vmem_shared>>)
      tpu.yield
    }) : () -> ()
    %barrier3A = arith.constant 0 : index
    tpu.barrier barrier_id(%barrier3A)
    %eq3A = arith.constant 0 : i32
    %eq3A_20 = arith.cmpi eq, %arg1, %eq3A : i32
    %convert_element_type3A = arith.extui %eq3A_20 : i1 to i32
    %cond3A = arith.constant 0 : i32
    %cond3A_21 = arith.cmpi ne, %convert_element_type3A, %cond3A : i32
    scf.if %cond3A_21 {
      "tpu.region"() ({
        %run_scoped3A = tpu.sem_alloc : memref<!tpu.dma_semaphore, #tpu.memory_space<semaphore_mem>>
        tpu.enqueue_dma source(%arg11 : memref<256xf32, #tpu.memory_space<vmem_shared>>) target(%arg10 : memref<256xf32, #tpu.memory_space<vmem>>) target_semaphore(%run_scoped3A : memref<!tpu.dma_semaphore, #tpu.memory_space<semaphore_mem>>)
        tpu.wait_dma2 semaphore(%run_scoped3A : memref<!tpu.dma_semaphore, #tpu.memory_space<semaphore_mem>>) src(%arg11 : memref<256xf32, #tpu.memory_space<vmem_shared>>) dst(%arg10 : memref<256xf32, #tpu.memory_space<vmem>>)
        tpu.yield
      }) : () -> ()
      %iota3A = tpu.iota {dimensions = array<i32: 0>} : vector<16xi32>
      %mul3A_22 = arith.constant 16 : i32
      %mul3A_23 = vector.broadcast %mul3A_22 : i32 to vector<16xi32>
      %mul3A_24 = arith.muli %iota3A, %mul3A_23 : vector<16xi32>
      %gather3A = tpu.vector_load_idx %arg10[%mul3A_24] : memref<256xf32, #tpu.memory_space<vmem>>[vector<16xi32>], vector<16xf32>,
      %mul3A_25 = arith.constant 6.10351563E-5 : f32
      %mul3A_26 = vector.broadcast %mul3A_25 : f32 to vector<16xf32>
      %mul3A_27 = arith.mulf %gather3A, %mul3A_26 : vector<16xf32>
      %reduce_sum3A_28 = arith.constant true
      %reduce_sum3A_29 = vector.broadcast %reduce_sum3A_28 : i1 to vector<16xi1>
      %reduce_sum3A_30 = tpu.scan <sum>, %mul3A_27 masked %reduce_sum3A_29 : vector<16xf32>, vector<16xi1> -> vector<16xf32>
      %reduce_sum3A_31 = vector.extract %reduce_sum3A_30[15] : f32 from vector<16xf32>
      %broadcast_in_dim3A_32 = arith.constant 0.000000e+00 : f32
      %broadcast_in_dim3A_33 = vector.broadcast %broadcast_in_dim3A_32 : f32 to vector<16xf32>
      %add3A_34 = vector.broadcast %reduce_sum3A_31 : f32 to vector<16xf32>
      %add3A_35 = arith.addf %broadcast_in_dim3A_33, %add3A_34 : vector<16xf32>
      %swap3A_36 = arith.constant 0 : index
      %swap3A_37 = tpu.vector_load %arg9[%swap3A_36] {strides = array<i32>} : memref<16xf32, #tpu.memory_space<vmem>>, vector<16xf32>,
      tpu.vector_store %arg9[%swap3A_36], %add3A_35 {strides = array<i32>} : memref<16xf32, #tpu.memory_space<vmem>>, vector<16xf32>,
      "tpu.region"() ({
        %run_scoped3A = tpu.sem_alloc : memref<!tpu.dma_semaphore, #tpu.memory_space<semaphore_mem>>
        tpu.enqueue_dma source(%arg9 : memref<16xf32, #tpu.memory_space<vmem>>) target(%arg5 : memref<16xf32, #tpu.memory_space<hbm>>) target_semaphore(%run_scoped3A : memref<!tpu.dma_semaphore, #tpu.memory_space<semaphore_mem>>)
        tpu.wait_dma2 semaphore(%run_scoped3A : memref<!tpu.dma_semaphore, #tpu.memory_space<semaphore_mem>>) src(%arg9 : memref<16xf32, #tpu.memory_space<vmem>>) dst(%arg5 : memref<16xf32, #tpu.memory_space<hbm>>)
        tpu.yield
      }) : () -> ()
    } else {
    }
    return
  }
}

</mosaic_0001>

<sc_bundles>
// kernel: kernel.3.cloned.1.call-start
scs
__scs_entry_jumppad:
0x0: {  	(pc) =	sbr.rel $0x88, $3  }
0x1: {  	(tag) =	ssettag $0x0;
	lr =	simm.s32 $0x1  }
0x2: {  	[smem:$0x3F9E] =	sst lr;
	_ =	strace $0xD0000000  }
0x3: {  	_ = 	snop  }
0x4: {  	_ = 	snop  }
0x5: {  	_ = 	snop  }
0x6: {  	_ = 	snop  }
0x7: {  	_ = 	snop  }
__scs_overlays_trampoline_lowered:
0x8: {  	[smem:$0x3FAD] =	sst s0  }
0x9: {  	[smem:$0x3FAE] =	sst s1  }
0xa: {  	[smem:$0x3FAF] =	sst s2  }
0xb: {  	[smem:$0x3FB0] =	sst s3  }
0xc: {  	[smem:$0x3FB1] =	sst s4  }
0xd: {  	[smem:$0x3FB2] =	sst s5  }
0xe: {  	[smem:$0x3FB3] =	sst s6  }
0xf: {  	[smem:$0x3FB4] =	sst s7  }
0x10: {  	[smem:$0x3FB5] =	sst s8  }
0x11: {  	[smem:$0x3FB6] =	sst s9;
	s0 =	simm.s32 @!p0 $0x0  }
0x12: {  	s1 =	sld [smem:$0x3F9C];
	s0 =	simm.s32 @p0 $0x1  }
0x13: {  	[smem:$0x3FB7] =	sst s0;
	s0 =	simm.s32 @!p1 $0x0  }
0x14: {  	s2 =	sld [smem:$0x3F9B];
	s0 =	simm.s32 @p1 $0x1  }
0x15: {  	[smem:$0x3FB8] =	sst s0;
	s0 =	simm.s32 @!p2 $0x0  }
0x16: {  	s3 =	sld [smem:$0x3FDB];
	s0 =	simm.s32 @p2 $0x1  }
0x17: {  	s4 =	simm.s32 $0x1BF5;
	[smem:$0x3FBA] =	sst s0  }
0x18: {  	s0 =	sld [smem:$0x3F9D];
	_ =	swait.ge [sflag:s4], $0x0  }
0x19: {  	s7 =	sld [smem:$0x3F9E]  }
0x1a: {  	s8 =	sadd.s32 $0xFFFFE003, lr  }
0x1b: {  	s9 =	sadd.s32 $0xFFFFFEF7, lr;
	s5 =	simm.s32 $0xFFFFFFFF;
	p2 =	slt.u32 s8, $0xFFFFF086  }
0x1c: {  	p1 =	slt.u32 s9, $0xF7A;
	s5 =	simm.s32 @!p2 $0x0  }
0x1d: {  	s5 =	simm.s32 @p1 $0x1;
	p0 =	seq.s32 s7, s2  }
0x1e: {  	s7 =	smul.u32 @!p0 $0xF7A, s2;
	p2 =	seq.s32 @!p0 s5, $0x0  }
0x1f: {  	s9 =	smul.u32 $0xF7A, s1;
	s8 =	simm.s32 @!p0 $0x1BF5;
	p2 =	por !p2, p0  }
0x20: {  	[sflag:s8] =	ssyncset.s32 @!p0 $0xFFFFF086;
	s6 =	sadd.s32 @!p0 s3, s7;
	s7 =	simm.s32 @!p0 $0x108  }
0x21: {  	s3 =	sadd.s32 s3, s9;
	s6 =	sadd.s32 @!p0 $0x88, s6;
	s7 =	simm.s32 @p2 $0x1082  }
0x22: {  	[simem:s7], [sflag:s8] =	dma.local @!p0 [hbm:s6], $0xF7A  }
0x23: {  	s9 =	sor.u32 $0xD0000000, s2;
	s6 =	simm.s32 $0x108;
	_ =	swait.ge @!p0 [sflag:s8], $0x0  }
0x24: {  	s3 =	sadd.s32 $0x88, s3;
	s6 =	simm.s32 @!p1 $0x1082;
	[sflag:s4] =	ssyncset.s32 $0xFFFFF086  }
0x25: {  	[simem:s6], [sflag:s4] =	dma.local [hbm:s3], $0xF7A  }
0x26: {  	[smem:$0x3F9E] =	sst s1;
	(tag) =	ssettag s2;
	_ =	strace s9  }
0x27: {  	s1 =	sld [smem:$0x3FAE]  }
0x28: {  	s2 =	sld [smem:$0x3FAF]  }
0x29: {  	s4 =	sld [smem:$0x3FB1]  }
0x2a: {  	p0 =	seq.s32 s5, $0x0;
	s5 =	sld [smem:$0x3FB2]  }
0x2b: {  	s6 =	sld [smem:$0x3FB3]  }
0x2c: {  	s7 =	sld [smem:$0x3FB4]  }
0x2d: {  	s3 =	simm.s32 $0x108;
	s8 =	sld [smem:$0x3FB5]  }
0x2e: {  	s3 =	simm.s32 @!p0 $0x1082;
	s9 =	sld [smem:$0x3FB6]  }
0x2f: {  	lr =	sadd.s32 s0, s3;
	s0 =	sld [smem:$0x3FAD]  }
0x30: {  	s3 =	sld [smem:$0x3FB0]  }
0x31: {  	[smem:$0x3FB9] =	sst s10  }
0x32: {  	s10 =	sld [smem:$0x3FB7];
	_ =	sdelay $0x3  }
0x33: {  	p0 =	seq.s32 s10, $0x1;
	s10 =	sld [smem:$0x3FB9];
	_ =	sdelay $0x3  }
0x34: {  	[smem:$0x3FB9] =	sst s10  }
0x35: {  	s10 =	sld [smem:$0x3FB8];
	_ =	sdelay $0x3  }
0x36: {  	p1 =	seq.s32 s10, $0x1;
	s10 =	sld [smem:$0x3FB9];
	_ =	sdelay $0x3  }
0x37: {  	[smem:$0x3FB9] =	sst s10  }
0x38: {  	s10 =	sld [smem:$0x3FBA]  }
0x39: {  	_ = 	snop;
	(pc) =	sbr.ind lr, $3  }
0x3a: {  	_ = 	snop  }
0x3b: {  	_ = 	snop  }
0x3c: {  	p2 =	seq.s32 s10, $0x1;
	s10 =	sld [smem:$0x3FB9]  }
0x3d: {  	_ =	shalt  }
0x3e: {  	_ =	shalt  }
0x3f: {  	_ =	shalt  }
0x40: {  	_ =	shalt  }
0x41: {  	_ =	shalt  }
0x42: {  	_ =	shalt  }
0x43: {  	_ =	shalt  }
0x44: {  	_ =	shalt  }
0x45: {  	_ =	shalt  }
0x46: {  	_ =	shalt  }
0x47: {  	_ =	shalt  }
0x48: {  	_ =	shalt  }
0x49: {  	_ =	shalt  }
0x4a: {  	_ =	shalt  }
0x4b: {  	_ =	shalt  }
0x4c: {  	_ =	shalt  }
0x4d: {  	_ =	shalt  }
0x4e: {  	_ =	shalt  }
0x4f: {  	_ =	shalt  }
0x50: {  	_ =	shalt  }
0x51: {  	_ =	shalt  }
0x52: {  	_ =	shalt  }
0x53: {  	_ =	shalt  }
0x54: {  	_ =	shalt  }
0x55: {  	_ =	shalt  }
0x56: {  	_ =	shalt  }
0x57: {  	_ =	shalt  }
0x58: {  	_ =	shalt  }
0x59: {  	_ =	shalt  }
0x5a: {  	_ =	shalt  }
0x5b: {  	_ =	shalt  }
0x5c: {  	_ =	shalt  }
0x5d: {  	_ =	shalt  }
0x5e: {  	_ =	shalt  }
0x5f: {  	_ =	shalt  }
0x60: {  	_ =	shalt  }
0x61: {  	_ =	shalt  }
0x62: {  	_ =	shalt  }
0x63: {  	_ =	shalt  }
0x64: {  	_ =	shalt  }
0x65: {  	_ =	shalt  }
0x66: {  	_ =	shalt  }
0x67: {  	_ =	shalt  }
0x68: {  	_ =	shalt  }
0x69: {  	_ =	shalt  }
0x6a: {  	_ =	shalt  }
0x6b: {  	_ =	shalt  }
0x6c: {  	_ =	shalt  }
0x6d: {  	_ =	shalt  }
0x6e: {  	_ =	shalt  }
0x6f: {  	_ =	shalt  }
0x70: {  	_ =	shalt  }
0x71: {  	_ =	shalt  }
0x72: {  	_ =	shalt  }
0x73: {  	_ =	shalt  }
0x74: {  	_ =	shalt  }
0x75: {  	_ =	shalt  }
0x76: {  	_ =	shalt  }
0x77: {  	_ =	shalt  }
0x78: {  	_ =	shalt  }
0x79: {  	_ =	shalt  }
0x7a: {  	_ =	shalt  }
0x7b: {  	_ =	shalt  }
0x7c: {  	_ =	shalt  }
0x7d: {  	_ =	shalt  }
0x7e: {  	_ =	shalt  }
0x7f: {  	_ =	shalt  }
0x80: {  	_ =	shalt  }
0x81: {  	_ =	shalt  }
0x82: {  	_ =	shalt  }
0x83: {  	_ =	shalt  }
0x84: {  	_ =	shalt  }
0x85: {  	_ =	shalt  }
0x86: {  	_ =	shalt  }
0x87: {  	_ =	shalt  }
.Lfunc_end0:
.L_simem_size_0:
called_computation_lowered:
.L_overlay_start_0:
0x88: {  	s0 =	sld [smem:$0x3FD9]  }
0x89: {  	s1 =	sld [smem:$0x3FFE];
	_ =	sdelay $0x3  }
0x8a: {  	s0 =	sadd.s32 s1, s0  }
0x8b: {  	[smem:$0x3FC5] =	sst s0  }
0x8c: {  	_ = 	snop  }
0x8d: {  	s0 =	sld [smem:$0x3FC9]  }
0x8e: {  	s17 =	sld [smem:$0x3FC8]  }
0x8f: {  	s2 =	sld [smem:$0x3FC7]  }
0x90: {  	s3 =	sld [smem:$0x3FD0];
	(tm) =	ssettm $0x1  }
0x91: {  	s4 =	sld [smem:$0x3FFB];
	_ =	sdelay $0x3  }
0x92: {  	_ =	strace s4  }
0x93: {  	s4 =	sld [smem:$0x3FFC];
	_ =	sdelay $0x3  }
0x94: {  	_ =	strace s4  }
0x95: {  	s4 =	sld [smem:$0x3FFD];
	_ =	sdelay $0x3  }
0x96: {  	_ =	strace s4  }
0x97: {  	_ =	strace $0x8FFFFFFF  }
0x98: {  	s18 =	sld [smem:$0x3FDB];
	_ =	sdelay $0x1  }
0x99: {  	s5 =	simm.s32 $_scs_section_size  }
0x9a: {  	s6 =	simm.s32 $_size__tile_overlayer_lowered;
	s7 =	simm.s32 $_tile_overlayer_lowered  }
0x9b: {  	s21 =	simm.s32 $0x1BFF;
	s20 =	sshll.u32 s7, $0x1;
	s4 =	sadd.s32 s5, s18  }
0x9c: {  	s8 =	simm.s32 $0x0;
	s19 =	sshll.u32 s6, $0x1;
	s6 =	sadd.s32 s20, s4  }
0x9d: {  	[timem:s8], [sflag:s21] =	dma.local [hbm:s6], s19  }
0x9e: {  	_ =	swait.ge [sflag:s21], s19  }
0x9f: {  	s5 =	ssub.s32 $0x0, s19;
	[sflag:s21] =	ssyncset.done $0x0  }
0xa0: {  	[sflag:s21] =	ssyncadd.s32 s5;
	_ =	sdelay $0x1  }
0xa1: {  	s22 =	simm.s32 $0x1B8B  }
0xa2: {  	_ =	swait.ge [sflag:s22], $0x1  }
0xa3: {  	[sflag:s22] =	ssyncset.done $0x0  }
0xa4: {  	s23 =	simm.s32 $0x1B8E;
	[sflag:s22] =	ssyncadd.s32 $0xFFFFFFFF  }
0xa5: {  	s24 =	simm.s32 $execute0_lowered;
	[smem:$0x3FD2] =	sst s23  }
0xa6: {  	s5 =	sshll.u32 s24, $0x1;
	_ =	strace $0x80000046;
	[dreg:$0x1] =	wrdreg $0xFFFFFFFF  }
0xa7: {  	s25 =	simm.s32 $_size_execute0_lowered;
	s4 =	sadd.s32 s4, s5;
	[dreg:$0x0] =	wrdreg $0x0  }
0xa8: {  	s5 =	sshll.u32 s25, $0x1;
	[dreg:$0x2] =	wrdreg s4  }
0xa9: {  	[dreg:$0x3] =	wrdreg s5  }
0xaa: {  	[dreg:$0x4] =	wrdreg $0xC0  }
0xab: {  	_ =	task [dreg:s8], $0x5FFFF  }
0xac: {  	[dreg:$0x1] =	wrdreg $0xFFFFFFFF  }
0xad: {  	[dreg:$0x0] =	wrdreg $0x60  }
0xae: {  	[dreg:$0x2] =	wrdreg s0  }
0xaf: {  	[dreg:$0x3] =	wrdreg s17  }
0xb0: {  	[dreg:$0x4] =	wrdreg s2  }
0xb1: {  	[dreg:$0x5] =	wrdreg s3  }
0xb2: {  	[dreg:$0x6] =	wrdreg $0xD800  }
0xb3: {  	[dreg:$0x7] =	wrdreg $0x9  }
0xb4: {  	_ =	task.clear_ibuf [dreg:s8], $0x8FFFF;
	_ =	strace $0x90000046  }
0xb5: {  	s26 =	simm.s32 $0x9;
	_ =	strace $0x80000048  }
0xb6: {  	_ =	swait.ge [sflag:s26], $0x1  }
0xb7: {  	[sflag:s26] =	ssyncadd.s32 $0xFFFFFFFF  }
0xb8: {  	_ =	strace $0x90000048  }
0xb9: {  	_ =	sfence  }
0xba: {  	s28 =	sld [smem:$0x0];
	_ =	sdelay $0x1  }
0xbb: {  	s29 =	srdreg.scid  }
0xbc: {  	s30 =	sshll.u32 s29, $0xD;
	s31 =	sshrl.u32 s29, $0x2  }
0xbd: {  	s1 =	sand.u32 $0x1, s29;
	s2 =	sand.u32 $0x4000, s30;
	s0 =	sadd.s32 s31, s28  }
0xbe: {  	s1 =	sor.u32 s2, s1;
	s0 =	sshll.u32 s0, $0x11  }
0xbf: {  	s0 =	sor.u32 s0, s1  }
0xc0: {  	s0 =	sadd.s32 $0x8F2B, s0  }
0xc1: {  	[sflag:s0] =	ssyncadd.remote.s32 $0x1  }
0xc2: {  	_ =	sfence.sel $0xFFFF  }
0xc3: {  	[dreg:$0x0] =	wrdreg $0xFFFFFFFF;
	(pc) =	sbr.abs _section_cstart, $3  }
0xc4: {  	[dreg:$0x1] =	wrdreg $0xFFFFFFFF  }
0xc5: {  	_ =	task.clear_ibuf [dreg:s8], $0x2FFFF;
	_ =	strace $0x9FFFFFFF  }
0xc6: {  	(tm) =	ssettm $0x7FFFFFFF  }
0xc7: {  	_ =	shalt  }
tec
execute0_lowered:
.L_overlay_start_1:
0x0: {  	(tag) =	ssettag $0x1  }
0x1: {  	s5 =	rddreg [dreg:$0x0]  }
0x2: {  	s6 =	rddreg [dreg:$0x1]  }
0x3: {  	s7 =	rddreg [dreg:$0x2]  }
0x4: {  	s1 =	rddreg [dreg:$0x3]  }
0x5: {  	s2 =	rddreg [dreg:$0x4];
	s4 =	simm.s32 $0x0  }
0x6: {  	s3 =	stileid.u32;
	[smem:$0x7FF] =	sst s4  }
0x7: {  	s0 =	rddreg [dreg:$0x5];
	s8 =	sshll.u32 s3, $0x7;
	_ =	strace $0x80000047  }
0x8: {  	[tilespmem:s4], [sflag:$0x1] =	stream.linear.gather [hbm4b:s7+s4], $0x400, $0x38;
	[tilespmem:$0xD90] =	vst v63  }
0x9: {  	s24 =	simm.s32 $0x400;
	s5 =	sadd.s32 s5, s8  }
0xa: {  	[tilespmem:s24], [sflag:$0x1] =	stream.linear.gather [hbm4b:s5+s4], $0x400, $0x38;
	[tilespmem:$0xD90] =	vst v63  }
0xb: {  	s26 =	simm.s32 $0x800;
	s28 =	simm.s32 $0x1;
	s25 =	sadd.s32 s6, s8  }
0xc: {  	[tilespmem:s26], [sflag:$0x1] =	stream.linear.gather [hbm4b:s25+s4], $0x400, $0x38;
	[tilespmem:$0xD90] =	vst v63  }
0xd: {  	_ =	swait.ge [sflag:s28], $0x400  }
0xe: {  	[sflag:s28] =	ssyncset.done $0x0  }
0xf: {  	[sflag:s28] =	ssyncadd.s32 $0xFFFFFC00  }
0x10: {  	_ =	swait.ge [sflag:s28], $0x400  }
0x11: {  	[sflag:s28] =	ssyncset.done $0x0  }
0x12: {  	[sflag:s28] =	ssyncadd.s32 $0xFFFFFC00  }
0x13: {  	_ =	swait.ge [sflag:s28], $0x400  }
0x14: {  	[sflag:s28] =	ssyncset.done $0x0  }
0x15: {  	s29 =	simm.s32 $0x820;
	[sflag:s28] =	ssyncadd.s32 $0xFFFFFC00  }
0x16: {  	v5 =	vld [tilespmem:s29+$0xFFFFFFE0]  }
0x17: {  	v7 =	vld [tilespmem:s29+$0xFFFFFFF0]  }
0x18: {  	v8 =	vld [tilespmem:s29+$0x0];
	_ =	sdelay $0x1  }
0x19: {  	v4 =	vld [tilespmem:s29+$0x10]  }
0x1a: {  	v0 =	vmul.f32 $1.000000000e+02, v5  }
0x1b: {  	v1 =	vmul.f32 $1.000000000e+02, v7  }
0x1c: {  	v2 =	vmul.f32 $1.000000000e+02, v8;
	v0 =	vadd.f32 $5.000000000e-01, v0  }
0x1d: {  	v1 =	vadd.f32 $5.000000000e-01, v1  }
0x1e: {  	s30 =	simm.s32 $0x420;
	v3 =	vmul.f32 $1.000000000e+02, v4;
	v2 =	vadd.f32 $5.000000000e-01, v2;
	v0 =	vtrunc.f32 v0  }
0x1f: {  	v9 =	vld [tilespmem:s30+$0x10];
	v1 =	vtrunc.f32 v1;
	v0 =	vcvt.f32.s32 v0  }
0x20: {  	s31 =	simm.s32 $0x860;
	v10 =	vld [tilespmem:s30+$0x0];
	v6 =	vcvt.f32.s32 v1;
	v1 =	vtrunc.f32 v2  }
0x21: {  	v3 =	vadd.f32 $5.000000000e-01, v3;
	v12 =	vcvt.f32.s32 v1;
	v1 =	vld [tilespmem:s31+$0xFFFFFFE0];
	vm0 =	vgt.s32 v0, $0x0  }
0x22: {  	v13 =	vld [tilespmem:s30+$0xFFFFFFE0];
	v2 =	vnsel vm0, $0x0, v0  }
0x23: {  	v0 =	vld [tilespmem:s31+$0xFFFFFFF0];
	vm0 =	vgt.s32 v6, $0x0;
	v11 =	vmin.u32 v2, $0x3E8;
	v2 =	vtrunc.f32 v3  }
0x24: {  	v3 =	vnsel vm0, $0x0, v6;
	vm0 =	vgt.s32 v12, $0x0;
	v6 =	vcvt.f32.s32 v2;
	v2 =	vld [tilespmem:s31+$0x10]  }
0x25: {  	v14 =	vmin.u32 v3, $0x3E8;
	v3 =	vld [tilespmem:s31+$0x0];
	v12 =	vnsel vm0, $0x0, v12  }
0x26: {  	v18 =	vld [tilespmem:s30+$0xFFFFFFF0];
	v12 =	vmin.u32 v12, $0x3E8;
	v15 =	vmul.f32 $1.000000000e+02, v1  }
0x27: {  	v4 =	vsub.f32 v9, v4;
	v20 =	vsub.f32 v13, v5;
	vm0 =	vgt.s32 v6, $0x0  }
0x28: {  	v16 =	vmul.f32 $1.000000000e+02, v0;
	v9 =	vadd.f32 $5.000000000e-01, v15;
	v17 =	vld.idx.msk [tilespmem:v11+s4+$0x0], $0xffff;
	v11 =	vnsel vm0, $0x0, v6  }
0x29: {  	v5 =	vsub.f32 v10, v8;
	v19 =	vmin.u32 v11, $0x3E8;
	v15 =	vmul.f32 $1.000000000e+02, v2  }
0x2a: {  	v11 =	vadd.f32 $5.000000000e-01, v16;
	v14 =	vld.idx.msk [tilespmem:v14+s4+$0x0], $0xffff;
	v16 =	vmul.f32 $1.000000000e+02, v3;
	v8 =	vtrunc.f32 v9  }
0x2b: {  	v6 =	vimm.f32 $0.0e+00;
	v10 =	vld.idx.msk [tilespmem:v12+s4+$0x0], $0xffff;
	v21 =	vcvt.f32.s32 v8;
	v12 =	vsub.f32 v18, v7  }
0x2c: {  	s5 =	simm.s32 $0x460;
	v9 =	vtrunc.f32 v11;
	v11 =	vadd.f32 $5.000000000e-01, v15;
	v8 =	vadd.f32 $5.000000000e-01, v16  }
0x2d: {  	v7 =	vld [tilespmem:s5+$0x0];
	v13 =	vcvt.f32.s32 v9;
	vm1 =	vgt.s32 v21, $0x0;
	v16 =	vmul.f32 v20, v17  }
0x2e: {  	v11 =	vtrunc.f32 v11;
	v15 =	vtrunc.f32 v8;
	v17 =	vnsel vm1, $0x0, v21;
	v9 =	vld.idx.msk [tilespmem:v19+s4+$0x0], $0xffff  }
0x2f: {  	s6 =	simm.s32 $0x40;
	s7 =	simm.s32 $0x8A0;
	v8 =	vld [tilespmem:s5+$0x10];
	vm0 =	vgt.s32 v13, $0x0;
	v14 =	vmul.f32 v12, v14;
	v16 =	vmul.f32 v16, v20  }
.LBB2_1:
0x30: {  	v18 =	vld [tilespmem:s7+$0xFFFFFFF0];
	v17 =	vmin.u32 v17, $0x3E8;
	v13 =	vnsel vm0, $0x0, v13;
	v15 =	vcvt.f32.s32 v15  }
0x31: {  	v10 =	vmul.f32 v5, v10;
	v19 =	vld [tilespmem:s7+$0xFFFFFFE0];
	v6 =	vadd.f32 v16, v6;
	v12 =	vmul.f32 v14, v12  }
0x32: {  	s6 =	sadd.s32 $0x40, s6;
	v11 =	vcvt.f32.s32 v11;
	v13 =	vmin.u32 v13, $0x3E8;
	v14 =	vld [tilespmem:s5+$0xFFFFFFE0];
	vm0 =	vgt.s32 v15, $0x0  }
0x33: {  	p0 =	slt.u32 s6, $0x3C0;
	v5 =	vmul.f32 v10, v5;
	v9 =	vmul.f32 v4, v9;
	v16 =	vld [tilespmem:s7+$0x10];
	v6 =	vadd.f32 v12, v6  }
0x34: {  	v12 =	vnsel vm0, $0x0, v15;
	vm0 =	vgt.s32 v11, $0x0;
	v10 =	vld [tilespmem:s7+$0x0]  }
0x35: {  	v12 =	vmin.u32 v12, $0x3E8;
	v5 =	vadd.f32 v5, v6;
	v6 =	vmul.f32 v9, v4  }
0x36: {  	v15 =	vmul.f32 $1.000000000e+02, v18;
	v4 =	vnsel vm0, $0x0, v11;
	v9 =	vmul.f32 $1.000000000e+02, v19;
	v17 =	vld.idx.msk [tilespmem:v17+s4+$0x0], $0xffff  }
0x37: {  	v21 =	vmin.u32 v4, $0x3E8;
	v4 =	vsub.f32 v8, v2;
	v20 =	vld [tilespmem:s5+$0xFFFFFFF0];
	v6 =	vadd.f32 v6, v5  }
0x38: {  	v8 =	vadd.f32 $5.000000000e-01, v9;
	v9 =	vadd.f32 $5.000000000e-01, v15;
	v11 =	vmul.f32 $1.000000000e+02, v16;
	v22 =	vld.idx.msk [tilespmem:v13+s4+$0x0], $0xffff;
	v2 =	vmovc v16  }
0x39: {  	v14 =	vsub.f32 v14, v1;
	v5 =	vsub.f32 v7, v3;
	v1 =	vmovc v19;
	v15 =	vmul.f32 $1.000000000e+02, v10;
	v3 =	vmovc v10  }
.Ltmp0:
0x3a: {  	v7 =	vtrunc.f32 v8;
	v8 =	vtrunc.f32 v9;
	v9 =	vadd.f32 $5.000000000e-01, v11;
	v10 =	vld.idx.msk [tilespmem:v12+s4+$0x0], $0xffff;
	(pc) =	sbr.rel @p0 .LBB2_1-.Ltmp0, $4  }
0x3b: {  	v7 =	vcvt.f32.s32 v7;
	v13 =	vcvt.f32.s32 v8;
	v8 =	vadd.f32 $5.000000000e-01, v15  }
0x3c: {  	s5 =	sadd.s32 $0x40, s5;
	v16 =	vmul.f32 v14, v17;
	v11 =	vtrunc.f32 v9;
	v12 =	vsub.f32 v20, v0;
	v9 =	vld.idx.msk [tilespmem:v21+s4+$0x0], $0xffff;
	v0 =	vmovc v18  }
0x3d: {  	vm1 =	vgt.s32 v7, $0x0;
	vm0 =	vgt.s32 v13, $0x0;
	v15 =	vtrunc.f32 v8;
	v8 =	vld [tilespmem:s5+$0x10]  }
0x3e: {  	s7 =	sadd.s32 $0x40, s7;
	v16 =	vmul.f32 v16, v14;
	v17 =	vnsel vm1, $0x0, v7;
	v7 =	vld [tilespmem:s5+$0x0];
	v14 =	vmul.f32 v12, v22  }
0x3f: {  	v17 =	vmin.u32 v17, $0x3E8;
	v15 =	vcvt.f32.s32 v15  }
0x40: {  	v13 =	vnsel vm0, $0x0, v13  }
0x41: {  	v11 =	vcvt.f32.s32 v11;
	v13 =	vmin.u32 v13, $0x3E8;
	vm14 =	vgt.s32 v15, $0x0  }
0x42: {  	v18 =	vld [tilespmem:s5+$0xFFFFFFE0];
	v15 =	vnsel vm14, $0x0, v15  }
0x43: {  	v54 =	vld [tilespmem:s5+$0xFFFFFFF0];
	vm15 =	vgt.s32 v11, $0x0;
	v15 =	vmin.u32 v15, $0x3E8  }
0x44: {  	v10 =	vmul.f32 v5, v10;
	v11 =	vnsel vm15, $0x0, v11;
	v53 =	vld.idx.msk [tilespmem:v17+s4+$0x0], $0xffff  }
0x45: {  	v6 =	vadd.f32 v16, v6;
	v12 =	vmul.f32 v14, v12;
	v11 =	vmin.u32 v11, $0x3E8  }
0x46: {  	v9 =	vmul.f32 v4, v9;
	v55 =	vld.idx.msk [tilespmem:v13+s4+$0x0], $0xffff  }
0x47: {  	v5 =	vmul.f32 v10, v5;
	v6 =	vadd.f32 v12, v6;
	v1 =	vsub.f32 v18, v1  }
0x48: {  	v4 =	vmul.f32 v9, v4;
	v56 =	vld.idx.msk [tilespmem:v15+s4+$0x0], $0xffff  }
0x49: {  	v5 =	vadd.f32 v5, v6;
	v0 =	vsub.f32 v54, v0;
	v57 =	vmul.f32 v1, v53  }
0x4a: {  	v3 =	vsub.f32 v7, v3;
	v58 =	vld.idx.msk [tilespmem:v11+s4+$0x0], $0xffff  }
0x4b: {  	v4 =	vadd.f32 v4, v5;
	v59 =	vmul.f32 v0, v55;
	v1 =	vmul.f32 v57, v1  }
0x4c: {  	v2 =	vsub.f32 v8, v2  }
0x4d: {  	v0 =	vmul.f32 v59, v0;
	v1 =	vadd.f32 v1, v4;
	v60 =	vmul.f32 v3, v56;
	_ =	sdelay $0x1  }
0x4e: {  	v62 =	vmul.f32 v2, v58;
	v0 =	vadd.f32 v0, v1;
	v61 =	vmul.f32 v60, v3;
	_ =	sdelay $0x1  }
0x4f: {  	v63 =	vmul.f32 v62, v2;
	v0 =	vadd.f32 v61, v0;
	_ =	sdelay $0x1  }
0x50: {  	v0 =	vadd.f32 v63, v0;
	_ =	sdelay $0x1  }
0x51: {  	(xrf2) =	vadd.scan.msk.f32 $0xffff, v0;
	_ =	sdelay $0x9  }
0x52: {  	v0, _, _ =	vpop (xrf2)  }
0x53: {  	v0 =	vadd.f32 $0.0e+00, v0;
	_ =	sdelay $0x1  }
0x54: {  	v0 =	vbroadcast v0, $0xF  }
0x55: {  	s29 =	sshll.u32 s3, $0x4  }
0x56: {  	s30 =	simm.s32 $0xC00;
	s31 =	simm.s32 $0x2;
	s4 =	sadd.s32 s29, s2;
	[tilespmem:$0xC00] =	vst v0  }
0x57: {  	[spmem:s4] =	stream.linear.scatter [tilespmem:s30], [sflag:$0x2], $0x10, $0x38;
	[tilespmem:$0xD90] =	vst v63  }
0x58: {  	_ =	swait.ge [sflag:s31], $0x10  }
0x59: {  	[sflag:s31] =	ssyncset.done $0x0  }
0x5a: {  	[sflag:s31] =	ssyncadd.s32 $0xFFFFFFF0  }
0x5b: {  	p0 =	sne.s32 s3, $0x0;
	[bflag:$0x0] =	sbarrier.arrive $0xFFFF  }
0x5c: {  	_ =	sfence.sel @p0 $0x180000  }
0x5d: {  	[bflag:$0x0] =	sbarrier.arrive @p0 $0xFFFF  }
0x5e: {  	v0 =	vlaneseq.u32 @!p0;
	_ =	strace @p0 $0x90000047  }
0x5f: {  	s3 =	simm.s32 @!p0 $0xC80;
	v0 =	vmul.u32 @!p0 $0x10, v0;
	[bflag:$0x2] =	sbarrier.arrive @p0 $0xFFFF  }
0x60: {  	[tilespmem:s3], [sflag:$0x2] =	stream.linear.gather @!p0 [spmem:s2], $0x100, $0x38;
	[tilespmem:$0xD90] =	vst v63  }
0x61: {  	s2 =	simm.s32 @!p0 $0x2  }
0x62: {  	_ =	swait.ge @!p0 [sflag:s2], $0x100  }
0x63: {  	[sflag:s2] =	ssyncset.done @!p0 $0x0  }
0x64: {  	[sflag:s2] =	ssyncadd.s32 @!p0 $0xFFFFFF00  }
0x65: {  	v0 =	vld.idx.msk @!p0 [tilespmem:v0+s3+$0x0], $0xffff;
	_ =	sdelay $0x4  }
0x66: {  	v0 =	vmul.f32 @!p0 $6.103515630e-05, v0;
	_ =	sdelay $0x1  }
0x67: {  	(xrf2) =	vadd.scan.msk.f32 @!p0 $0xffff, v0;
	_ =	sdelay $0x9  }
0x68: {  	v0, _, _ =	vpop @!p0 (xrf2)  }
0x69: {  	v0 =	vadd.f32 @!p0 $0.0e+00, v0;
	_ =	sdelay $0x1  }
0x6a: {  	v0 =	vbroadcast @!p0 v0, $0xF;
	_ =	sdelay $0x1  }
0x6b: {  	s4 =	simm.s32 @!p0 $0xC00;
	s3 =	simm.s32 @!p0 $0x0;
	[tilespmem:$0xC00] =	vst @!p0 v0  }
0x6c: {  	[hbm4b:s1+s3] =	stream.linear.scatter @!p0 [tilespmem:s4], [sflag:$0x2], $0x80, $0x38;
	[tilespmem:$0xD90] =	vst v63  }
0x6d: {  	_ =	swait.ge @!p0 [sflag:s2], $0x80  }
0x6e: {  	[sflag:s2] =	ssyncset.done @!p0 $0x0  }
0x6f: {  	[sflag:s2] =	ssyncadd.s32 @!p0 $0xFFFFFF80  }
0x70: {  	_ =	sfence.sel @!p0 $0x180000  }
0x71: {  	[bflag:$0x0] =	sbarrier.arrive @!p0 $0xFFFF  }
0x72: {  	_ =	strace @!p0 $0x90000047  }
0x73: {  	s0 =	sadd.s32 @!p0 $0x100000, s0;
	[bflag:$0x2] =	sbarrier.arrive @!p0 $0xFFFF  }
0x74: {  	[sflag:s0] =	ssyncadd.tile.s32 @!p0 $0x1;
	_ =	shalt  }
.Lfunc_end2:
_tile_overlayer_lowered:
.L_overlay_start_2:
0x75: {  	(tag) =	ssettag $0x2  }
0x76: {  	s0 =	rddreg [dreg:$0x0];
	s2 =	stileid.u32  }
0x77: {  	s1 =	rddreg [dreg:$0x1];
	p0 =	sne.s32 s2, $0x0  }
0x78: {  	s3 =	rddreg [dreg:$0x2];
	[bflag:$0x3] =	sbarrier.arrive $0xFFFF;
	s2 =	simm.s32 @!p0 $0x1C02  }
0x79: {  	[timem:s3], [sflag:s2] =	dma.local @!p0 [hbm:s0], s1  }
0x7a: {  	s0 =	simm.s32 @!p0 $0x2  }
0x7b: {  	_ =	swait.ge @!p0 [sflag:s0], s1  }
0x7c: {  	s1 =	ssub.s32 @!p0 $0x0, s1;
	[sflag:s0] =	ssyncset.done @!p0 $0x0  }
0x7d: {  	[sflag:s0] =	ssyncadd.s32 @!p0 s1  }
0x7e: {  	[bflag:$0x3] =	sbarrier.arrive $0xFFFF  }
0x7f: {  	_ =	shalt  }

</sc_bundles>
